<compile_context>
chip_gen: v7x
topology: tpu7x:2x2x1
jax: 0.10.2.dev20260603
libtpu: 0.0.44.dev20260713+nightly
codegen_flags: <defaults>
</compile_context>

<pallas_src>
import jax
import jax.numpy as jnp
from jax import lax
from jax.experimental import pallas as pl
from jax.experimental.pallas import tpu as pltpu
from jax.experimental.pallas import tpu_sc as plsc

N = 10000
E = 320000
D = 128
DH = D // 2
D_OUT = 40

NC = 2
NCU = 2
NS = 16
NW = NCU * NS

CE = 128
KP = 40
NPH0 = 2
NPH1 = 2
K0 = NPH0 * KP
K1 = NPH1 * KP
E_PAD = NS * (K0 + K1) * CE
NP = 10240
RPT = NP // NS

BM = 5120


def _mesh():
    return plsc.VectorSubcoreMesh(core_axis_name="c", subcore_axis_name="s", num_cores=NCU)


def _degree_body(src_hbm, dst_hbm, degp_hbm, sidx, didx, hist_s, hist_d):
    c = lax.axis_index("c")
    s = lax.axis_index("s")
    wid = c * NS + s

    pltpu.sync_copy(src_hbm.at[wid], sidx)
    pltpu.sync_copy(dst_hbm.at[wid], didx)

    zero16 = jnp.zeros((16,), jnp.float32)

    def zinit(i, _):
        hist_s[pl.ds(i * 16, 16)] = zero16
        hist_d[pl.ds(i * 16, 16)] = zero16
        return 0

    lax.fori_loop(0, NP // 16, zinit, 0)

    ones16 = jnp.ones((16,), jnp.float32)

    def body(i, _):
        sv = sidx[pl.ds(i * 16, 16)]
        dv = didx[pl.ds(i * 16, 16)]
        plsc.addupdate_scatter(hist_s, [sv], ones16)
        plsc.addupdate_scatter(hist_d, [dv], ones16)
        return 0

    lax.fori_loop(0, (E_PAD // NW) // 16, body, 0)

    pltpu.sync_copy(hist_s, degp_hbm.at[0, wid])
    pltpu.sync_copy(hist_d, degp_hbm.at[1, wid])


@jax.jit
def _degrees(src_p, dst_p):
    return pl.kernel(
        _degree_body,
        out_type=jax.ShapeDtypeStruct((2, NW, NP), jnp.float32),
        mesh=_mesh(),
        compiler_params=pltpu.CompilerParams(needs_layout_passes=False),
        scratch_types=[
            pltpu.VMEM((E_PAD // NW,), jnp.int32),
            pltpu.VMEM((E_PAD // NW,), jnp.int32),
            pltpu.VMEM((NP,), jnp.float32),
            pltpu.VMEM((NP,), jnp.float32),
        ],
    )(src_p, dst_p)


def _agg_body(y_hbm, edge_hbm, zeros_hbm, out_hbm, eidx, rr, acc, gsem):
    c = lax.axis_index("c")
    s = lax.axis_index("s")
    wid = c * NS + s

    pltpu.sync_copy(zeros_hbm.at[pl.ds(s * RPT, RPT)],
                    acc.at[pl.ds(s * RPT, RPT)])

    plsc.subcore_barrier()

    nph = NPH0

    def phase_body(ph, _):
        pltpu.sync_copy(edge_hbm.at[wid, ph], eidx)

        for b in range(2):
            pltpu.async_copy(y_hbm.at[eidx.at[0, b]], rr.at[b], gsem.at[b])

        def round_body(r, _):
            for b in range(2):
                j = 2 * r + b
                pltpu.make_async_copy(
                    y_hbm.at[eidx.at[0, j]], rr.at[b], gsem.at[b]).wait()
                pltpu.sync_copy(rr.at[b], acc.at[eidx.at[1, j]], add=True)
                pltpu.async_copy(y_hbm.at[eidx.at[0, j + 2]], rr.at[b],
                                 gsem.at[b])
            return 0

        lax.fori_loop(0, KP // 2 - 1, round_body, 0)
        for b in range(2):
            j = KP - 2 + b
            pltpu.make_async_copy(
                y_hbm.at[eidx.at[0, j]], rr.at[b], gsem.at[b]).wait()
            pltpu.sync_copy(rr.at[b], acc.at[eidx.at[1, j]], add=True)
        return 0

    lax.fori_loop(0, nph, phase_body, 0)

    plsc.subcore_barrier()

    pltpu.sync_copy(acc.at[pl.ds(s * RPT, RPT)],
                    out_hbm.at[c, pl.ds(s * RPT, RPT)])


@jax.jit
def _aggregate(y_p, edge_p, zeros_p):
    return pl.kernel(
        _agg_body,
        out_type=jax.ShapeDtypeStruct((NCU, NP, D), jnp.float32),
        mesh=_mesh(),
        compiler_params=pltpu.CompilerParams(needs_layout_passes=False),
        scratch_types=[
            pltpu.VMEM((2, KP, CE), jnp.int32),
            pltpu.VMEM((2, CE, D), jnp.float32),
            pltpu.VMEM_SHARED((NP, D), jnp.float32),
            pltpu.SemaphoreType.DMA((2,)),
        ],
    )(y_p, edge_p, zeros_p)


def _norms(degb):
    deg_src = jnp.sum(degb[:NW], axis=0)
    deg_dst = jnp.sum(degb[NW:], axis=0)
    n_src = lax.rsqrt(jnp.clip(deg_src, 1.0, None))
    n_dst = lax.rsqrt(jnp.clip(deg_dst, 1.0, None))
    return n_src, n_dst


def _tca_body(xb, w1, degb, yb):
    n_src, _ = _norms(degb)
    yb[...] = jnp.dot(xb[...], w1[...],
                      preferred_element_type=jnp.float32) * n_src[:, None]


@jax.jit
def _tc_a(x_p, W1, degp):
    grid = NP // BM
    return pl.pallas_call(
        _tca_body,
        grid=(grid,),
        in_specs=[
            pl.BlockSpec((BM, D), lambda i: (i, 0)),
            pl.BlockSpec((D, D), lambda i: (0, 0)),
            pl.BlockSpec((2 * NW, BM), lambda i: (0, i)),
        ],
        out_specs=pl.BlockSpec((BM, D), lambda i: (i, 0)),
        out_shape=jax.ShapeDtypeStruct((NP, D), jnp.float32),
    )(x_p, W1, degp)


def _tcb_body(aggb, w2, b1b, degb, yb):
    n_src, n_dst = _norms(degb)
    row = pl.program_id(0) * BM + lax.broadcasted_iota(jnp.int32, (BM,), 0)
    n_src = jnp.where(row < N, n_src, 0.0)
    agg = sum(aggb[i] for i in range(1, NCU)) + aggb[0]
    h = jax.nn.relu(agg * n_dst[:, None] + b1b[...])
    yb[...] = jnp.dot(h, w2[...],
                      preferred_element_type=jnp.float32) * n_src[:, None]


@jax.jit
def _tc_b(agg, W2, b1, degp):
    grid = NP // BM
    return pl.pallas_call(
        _tcb_body,
        grid=(grid,),
        in_specs=[
            pl.BlockSpec((NCU, BM, D), lambda i: (0, i, 0)),
            pl.BlockSpec((D, D), lambda i: (0, 0)),
            pl.BlockSpec((1, D), lambda i: (0, 0)),
            pl.BlockSpec((2 * NW, BM), lambda i: (0, i)),
        ],
        out_specs=pl.BlockSpec((BM, D), lambda i: (i, 0)),
        out_shape=jax.ShapeDtypeStruct((NP, D), jnp.float32),
    )(agg, W2, b1.reshape(1, D), degp)


def _tcc_body(aggb, wc, b2b, bcb, degb, ob):
    _, n_dst = _norms(degb)
    agg = sum(aggb[i] for i in range(1, NCU)) + aggb[0]
    h = jax.nn.relu(agg * n_dst[:, None] + b2b[...])
    ob[...] = jnp.dot(h, wc[...], preferred_element_type=jnp.float32) + bcb[...]


@jax.jit
def _tc_c(agg, Wc_p, b2, bc_p, degp):
    grid = NP // BM
    return pl.pallas_call(
        _tcc_body,
        grid=(grid,),
        in_specs=[
            pl.BlockSpec((NCU, BM, D), lambda i: (0, i, 0)),
            pl.BlockSpec((D, D), lambda i: (0, 0)),
            pl.BlockSpec((1, D), lambda i: (0, 0)),
            pl.BlockSpec((1, D), lambda i: (0, 0)),
            pl.BlockSpec((2 * NW, BM), lambda i: (0, i)),
        ],
        out_specs=pl.BlockSpec((BM, D), lambda i: (i, 0)),
        out_shape=jax.ShapeDtypeStruct((NP, D), jnp.float32),
    )(agg, Wc_p, b2.reshape(1, D), bc_p, degp)


def kernel(x, edge_index, W1, b1, W2, b2, Wc, bc):
    src = edge_index[0].astype(jnp.int32)
    dst = edge_index[1].astype(jnp.int32)
    padfill = jnp.full((E_PAD - E,), N, jnp.int32)
    src_p = jnp.concatenate([src, padfill])
    dst_p = jnp.concatenate([dst, padfill])

    e0 = NS * K0 * CE

    def _tile_view(a):
        a0 = a[:e0].reshape(NS, NPH0, KP, CE)
        a1 = a[e0:].reshape(NS, NPH1, KP, CE)
        a1 = jnp.pad(a1, ((0, 0), (0, NPH0 - NPH1), (0, 0), (0, 0)),
                     constant_values=N)
        return jnp.concatenate([a1, a0], axis=0)

    edge_p = jnp.stack([_tile_view(src_p), _tile_view(dst_p)], axis=2)
    zeros_p = jnp.zeros((NP, D), jnp.float32)
    src_d = src_p.reshape(NW, E_PAD // NW)
    dst_d = dst_p.reshape(NW, E_PAD // NW)

    x_p = jnp.pad(x, ((0, NP - N), (0, 0)))
    Wc_p = jnp.pad(Wc, ((0, 0), (0, D - D_OUT)))
    bc_p = jnp.pad(bc, ((0, D - D_OUT),)).reshape(1, D)

    degp = _degrees(src_d, dst_d).reshape(2 * NW, NP)

    y1 = _tc_a(x_p, W1, degp)
    agg1 = _aggregate(y1, edge_p, zeros_p)
    y2 = _tc_b(agg1, W2, b1, degp)
    agg2 = _aggregate(y2, edge_p, zeros_p)
    out = _tc_c(agg2, Wc_p, b2, bc_p, degp)
    return out[:N, :D_OUT]

# --- scband reference (transcript-rebuilt; emitter-appended) ---
"""Pipeline reference for scband-supervised-gnn-classification-53060025974867 (READ-ONLY COPY).

The authoritative reference and input builder live on the scoring server;
editing this copy changes nothing except your own understanding.
"""

import jax, jax.numpy as jnp
import numpy as np

N = 10000
E = 320000
D_IN = 128
D_HID = 128
D_OUT = 40


def setup_inputs(seed: int = 0) -> dict:
    key = jax.random.key(seed)
    ks = jax.random.split(key, 8)
    x = jax.random.normal(ks[0], (N, D_IN), dtype=jnp.float32)
    edge_index = jax.random.randint(ks[1], (2, E), 0, N, dtype=jnp.int64)
    W1 = jax.random.normal(ks[2], (D_IN, D_HID), dtype=jnp.float32) * 0.05
    b1 = jnp.zeros((D_HID,), dtype=jnp.float32)
    W2 = jax.random.normal(ks[3], (D_HID, D_HID), dtype=jnp.float32) * 0.05
    b2 = jnp.zeros((D_HID,), dtype=jnp.float32)
    Wc = jax.random.normal(ks[4], (D_HID, D_OUT), dtype=jnp.float32) * 0.05
    bc = jnp.zeros((D_OUT,), dtype=jnp.float32)
    return {"x": x, "edge_index": edge_index, "W1": W1, "b1": b1, "W2": W2, "b2": b2, "Wc": Wc, "bc": bc}


def _gcn_layer(x, src, dst, W, b, activate):
    # DGL GraphConv with norm='both': h_i = sum_j x_j / sqrt(d_out(j) d_in(i)) @ W + b
    ones = jnp.ones((src.shape[0],), dtype=jnp.float32)
    deg_out = jnp.zeros((N,), dtype=jnp.float32).at[src].add(ones)
    deg_in = jnp.zeros((N,), dtype=jnp.float32).at[dst].add(ones)
    norm_src = jax.lax.rsqrt(jnp.clip(deg_out, 1.0, None))
    norm_dst = jax.lax.rsqrt(jnp.clip(deg_in, 1.0, None))
    h = x * norm_src[:, None]
    msg = jnp.take(h, src, axis=0)
    agg = jnp.zeros((N, x.shape[1]), dtype=x.dtype).at[dst].add(msg)
    agg = agg * norm_dst[:, None]
    out = agg @ W + b
    if activate:
        out = jax.nn.relu(out)
    return out


def reference(x, edge_index, W1, b1, W2, b2, Wc, bc):
    src = edge_index[0]
    dst = edge_index[1]
    # encoder (GCN, num_layers=2, encoding=True -> activation on every layer); dropout is eval-mode identity
    h = _gcn_layer(x, src, dst, W1, b1, True)
    h = _gcn_layer(h, src, dst, W2, b2, True)
    # classifier
    out = h @ Wc + bc
    return out

if __name__ == "__main__":
    import jax
    _d = setup_inputs()
    print(jax.jit(kernel)(*tuple(_d.values())))

</pallas_src>

<mosaic_0001>
#map = affine_map<(d0, d1) -> (0, 0)>
#map1 = affine_map<(d0, d1) -> (0, 0, 0)>
module attributes {stable_mosaic.version = 14 : i64} {
  func.func @_degree_body(%arg0: i32, %arg1: i32, %arg2: memref<32x10240xi32, #tpu.memory_space<hbm>>, %arg3: memref<32x10240xi32, #tpu.memory_space<hbm>>, %arg4: memref<2x32x10240xf32, #tpu.memory_space<hbm>>, %arg5: memref<10240xi32, #tpu.memory_space<vmem>>, %arg6: memref<10240xi32, #tpu.memory_space<vmem>>, %arg7: memref<10240xf32, #tpu.memory_space<vmem>>, %arg8: memref<10240xf32, #tpu.memory_space<vmem>>) attributes {dimension_semantics = [#tpu.dimension_semantics<core_parallel>, #tpu.dimension_semantics<subcore_parallel>], iteration_bounds = array<i64: 2, 16>, scalar_prefetch = 0 : i64, scratch_operands = 4 : i64, tpu.core_type = #tpu.core_type<sc_vector_subcore>, window_params = [{transform_indices = #map}, {transform_indices = #map}, {transform_indices = #map1}]} {
    %mul3A = arith.constant 16 : i32
    %mul3A_0 = arith.muli %arg0, %mul3A : i32
    %add3A = arith.addi %mul3A_0, %arg1 : i32
    "tpu.region"() ({
      %run_scoped3A_18 = tpu.sem_alloc : memref<!tpu.dma_semaphore, #tpu.memory_space<semaphore_mem>>
      %dma_start3A = arith.constant 0 : i32
      %dma_start3A_19 = tpu.memref_slice %arg2[%add3A, %dma_start3A] : memref<32x10240xi32, #tpu.memory_space<hbm>> -> memref<1x10240xi32, #tpu.memory_space<hbm>>
      %dma_start3A_20 = tpu.memref_squeeze %dma_start3A_19 : memref<1x10240xi32, #tpu.memory_space<hbm>> -> memref<10240xi32, #tpu.memory_space<hbm>>
      %dma_start3A_21 = arith.constant 0 : i32
      %dma_start3A_22 = tpu.memref_slice %arg2[%add3A, %dma_start3A_21] : memref<32x10240xi32, #tpu.memory_space<hbm>> -> memref<1x10240xi32, #tpu.memory_space<hbm>>
      %dma_start3A_23 = tpu.memref_squeeze %dma_start3A_22 : memref<1x10240xi32, #tpu.memory_space<hbm>> -> memref<10240xi32, #tpu.memory_space<hbm>>
      tpu.enqueue_dma source(%dma_start3A_23 : memref<10240xi32, #tpu.memory_space<hbm>>) target(%arg5 : memref<10240xi32, #tpu.memory_space<vmem>>) target_semaphore(%run_scoped3A_18 : memref<!tpu.dma_semaphore, #tpu.memory_space<semaphore_mem>>)
      %dma_wait3A = arith.constant 0 : i32
      %dma_wait3A_24 = tpu.memref_slice %arg2[%add3A, %dma_wait3A] : memref<32x10240xi32, #tpu.memory_space<hbm>> -> memref<1x10240xi32, #tpu.memory_space<hbm>>
      %dma_wait3A_25 = tpu.memref_squeeze %dma_wait3A_24 : memref<1x10240xi32, #tpu.memory_space<hbm>> -> memref<10240xi32, #tpu.memory_space<hbm>>
      %dma_wait3A_26 = arith.constant 0 : i32
      %dma_wait3A_27 = tpu.memref_slice %arg2[%add3A, %dma_wait3A_26] : memref<32x10240xi32, #tpu.memory_space<hbm>> -> memref<1x10240xi32, #tpu.memory_space<hbm>>
      %dma_wait3A_28 = tpu.memref_squeeze %dma_wait3A_27 : memref<1x10240xi32, #tpu.memory_space<hbm>> -> memref<10240xi32, #tpu.memory_space<hbm>>
      tpu.wait_dma2 semaphore(%run_scoped3A_18 : memref<!tpu.dma_semaphore, #tpu.memory_space<semaphore_mem>>) src(%dma_wait3A_28 : memref<10240xi32, #tpu.memory_space<hbm>>) dst(%arg5 : memref<10240xi32, #tpu.memory_space<vmem>>)
      tpu.yield
    }) : () -> ()
    "tpu.region"() ({
      %run_scoped3A_18 = tpu.sem_alloc : memref<!tpu.dma_semaphore, #tpu.memory_space<semaphore_mem>>
      %dma_start3A = arith.constant 0 : i32
      %dma_start3A_19 = tpu.memref_slice %arg3[%add3A, %dma_start3A] : memref<32x10240xi32, #tpu.memory_space<hbm>> -> memref<1x10240xi32, #tpu.memory_space<hbm>>
      %dma_start3A_20 = tpu.memref_squeeze %dma_start3A_19 : memref<1x10240xi32, #tpu.memory_space<hbm>> -> memref<10240xi32, #tpu.memory_space<hbm>>
      %dma_start3A_21 = arith.constant 0 : i32
      %dma_start3A_22 = tpu.memref_slice %arg3[%add3A, %dma_start3A_21] : memref<32x10240xi32, #tpu.memory_space<hbm>> -> memref<1x10240xi32, #tpu.memory_space<hbm>>
      %dma_start3A_23 = tpu.memref_squeeze %dma_start3A_22 : memref<1x10240xi32, #tpu.memory_space<hbm>> -> memref<10240xi32, #tpu.memory_space<hbm>>
      tpu.enqueue_dma source(%dma_start3A_23 : memref<10240xi32, #tpu.memory_space<hbm>>) target(%arg6 : memref<10240xi32, #tpu.memory_space<vmem>>) target_semaphore(%run_scoped3A_18 : memref<!tpu.dma_semaphore, #tpu.memory_space<semaphore_mem>>)
      %dma_wait3A = arith.constant 0 : i32
      %dma_wait3A_24 = tpu.memref_slice %arg3[%add3A, %dma_wait3A] : memref<32x10240xi32, #tpu.memory_space<hbm>> -> memref<1x10240xi32, #tpu.memory_space<hbm>>
      %dma_wait3A_25 = tpu.memref_squeeze %dma_wait3A_24 : memref<1x10240xi32, #tpu.memory_space<hbm>> -> memref<10240xi32, #tpu.memory_space<hbm>>
      %dma_wait3A_26 = arith.constant 0 : i32
      %dma_wait3A_27 = tpu.memref_slice %arg3[%add3A, %dma_wait3A_26] : memref<32x10240xi32, #tpu.memory_space<hbm>> -> memref<1x10240xi32, #tpu.memory_space<hbm>>
      %dma_wait3A_28 = tpu.memref_squeeze %dma_wait3A_27 : memref<1x10240xi32, #tpu.memory_space<hbm>> -> memref<10240xi32, #tpu.memory_space<hbm>>
      tpu.wait_dma2 semaphore(%run_scoped3A_18 : memref<!tpu.dma_semaphore, #tpu.memory_space<semaphore_mem>>) src(%dma_wait3A_28 : memref<10240xi32, #tpu.memory_space<hbm>>) dst(%arg6 : memref<10240xi32, #tpu.memory_space<vmem>>)
      tpu.yield
    }) : () -> ()
    %broadcast_in_dim3A = arith.constant 0.000000e+00 : f32
    %broadcast_in_dim3A_1 = vector.broadcast %broadcast_in_dim3A : f32 to vector<16xf32>
    %scan3A = arith.constant 0 : i32
    %scan3A_2 = arith.constant 0 : i32
    %scan3A_3 = arith.constant 640 : i32
    %scan3A_4 = arith.addi %scan3A_2, %scan3A_3 : i32
    %scan3A_5 = arith.constant 1 : i32
    %scan3A_6 = scf.for %scan3A_18 = %scan3A_2 to %scan3A_4 step %scan3A_5 iter_args(%scan3A_19 = %scan3A) -> (i32)  : i32 {
      %mul3A_20 = arith.constant 16 : i32
      %mul3A_21 = arith.muli %scan3A_18, %mul3A_20 : i32
      %swap3A = arith.index_cast %mul3A_21 : i32 to index
      %swap3A_22 = tpu.vector_load %arg7[%swap3A] {strides = array<i32>} : memref<10240xf32, #tpu.memory_space<vmem>>, vector<16xf32>,
      tpu.vector_store %arg7[%swap3A], %broadcast_in_dim3A_1 {strides = array<i32>} : memref<10240xf32, #tpu.memory_space<vmem>>, vector<16xf32>,
      %mul3A_23 = arith.constant 16 : i32
      %mul3A_24 = arith.muli %scan3A_18, %mul3A_23 : i32
      %swap3A_25 = arith.index_cast %mul3A_24 : i32 to index
      %swap3A_26 = tpu.vector_load %arg8[%swap3A_25] {strides = array<i32>} : memref<10240xf32, #tpu.memory_space<vmem>>, vector<16xf32>,
      tpu.vector_store %arg8[%swap3A_25], %broadcast_in_dim3A_1 {strides = array<i32>} : memref<10240xf32, #tpu.memory_space<vmem>>, vector<16xf32>,
      %scan3A_27 = arith.constant 0 : i32
      scf.yield %scan3A_27 : i32
    }
    %scan3A_7 = arith.constant 640 : i32
    %broadcast_in_dim3A_8 = arith.constant 1.000000e+00 : f32
    %broadcast_in_dim3A_9 = vector.broadcast %broadcast_in_dim3A_8 : f32 to vector<16xf32>
    %scan3A_10 = arith.constant 0 : i32
    %scan3A_11 = arith.constant 0 : i32
    %scan3A_12 = arith.constant 640 : i32
    %scan3A_13 = arith.addi %scan3A_11, %scan3A_12 : i32
    %scan3A_14 = arith.constant 1 : i32
    %scan3A_15 = scf.for %scan3A_18 = %scan3A_11 to %scan3A_13 step %scan3A_14 iter_args(%scan3A_19 = %scan3A_10) -> (i32)  : i32 {
      %mul3A_20 = arith.constant 16 : i32
      %mul3A_21 = arith.muli %scan3A_18, %mul3A_20 : i32
      %get3A = arith.index_cast %mul3A_21 : i32 to index
      %get3A_22 = tpu.vector_load %arg5[%get3A] {strides = array<i32>} : memref<10240xi32, #tpu.memory_space<vmem>>, vector<16xi32>,
      %mul3A_23 = arith.constant 16 : i32
      %mul3A_24 = arith.muli %scan3A_18, %mul3A_23 : i32
      %get3A_25 = arith.index_cast %mul3A_24 : i32 to index
      %get3A_26 = tpu.vector_load %arg6[%get3A_25] {strides = array<i32>} : memref<10240xi32, #tpu.memory_space<vmem>>, vector<16xi32>,
      tpu.vector_store_idx %arg7[%get3A_22], %broadcast_in_dim3A_9 {add = true} : memref<10240xf32, #tpu.memory_space<vmem>>[vector<16xi32>], vector<16xf32>,
      tpu.vector_store_idx %arg8[%get3A_26], %broadcast_in_dim3A_9 {add = true} : memref<10240xf32, #tpu.memory_space<vmem>>[vector<16xi32>], vector<16xf32>,
      %scan3A_27 = arith.constant 0 : i32
      scf.yield %scan3A_27 : i32
    }
    %scan3A_16 = arith.constant 640 : i32
    %run_scoped3A = arith.constant 0 : i32
    "tpu.region"() ({
      %run_scoped3A_18 = tpu.sem_alloc : memref<!tpu.dma_semaphore, #tpu.memory_space<semaphore_mem>>
      %dma_start3A = arith.constant 0 : i32
      %dma_start3A_19 = tpu.memref_slice %arg4[%run_scoped3A, %add3A, %dma_start3A] : memref<2x32x10240xf32, #tpu.memory_space<hbm>> -> memref<1x1x10240xf32, #tpu.memory_space<hbm>>
      %dma_start3A_20 = tpu.memref_squeeze %dma_start3A_19 : memref<1x1x10240xf32, #tpu.memory_space<hbm>> -> memref<10240xf32, #tpu.memory_space<hbm>>
      %dma_start3A_21 = arith.constant 0 : i32
      %dma_start3A_22 = tpu.memref_slice %arg4[%run_scoped3A, %add3A, %dma_start3A_21] : memref<2x32x10240xf32, #tpu.memory_space<hbm>> -> memref<1x1x10240xf32, #tpu.memory_space<hbm>>
      %dma_start3A_23 = tpu.memref_squeeze %dma_start3A_22 : memref<1x1x10240xf32, #tpu.memory_space<hbm>> -> memref<10240xf32, #tpu.memory_space<hbm>>
      tpu.enqueue_dma source(%arg7 : memref<10240xf32, #tpu.memory_space<vmem>>) target(%dma_start3A_23 : memref<10240xf32, #tpu.memory_space<hbm>>) target_semaphore(%run_scoped3A_18 : memref<!tpu.dma_semaphore, #tpu.memory_space<semaphore_mem>>)
      %dma_wait3A = arith.constant 0 : i32
      %dma_wait3A_24 = tpu.memref_slice %arg4[%run_scoped3A, %add3A, %dma_wait3A] : memref<2x32x10240xf32, #tpu.memory_space<hbm>> -> memref<1x1x10240xf32, #tpu.memory_space<hbm>>
      %dma_wait3A_25 = tpu.memref_squeeze %dma_wait3A_24 : memref<1x1x10240xf32, #tpu.memory_space<hbm>> -> memref<10240xf32, #tpu.memory_space<hbm>>
      %dma_wait3A_26 = arith.constant 0 : i32
      %dma_wait3A_27 = tpu.memref_slice %arg4[%run_scoped3A, %add3A, %dma_wait3A_26] : memref<2x32x10240xf32, #tpu.memory_space<hbm>> -> memref<1x1x10240xf32, #tpu.memory_space<hbm>>
      %dma_wait3A_28 = tpu.memref_squeeze %dma_wait3A_27 : memref<1x1x10240xf32, #tpu.memory_space<hbm>> -> memref<10240xf32, #tpu.memory_space<hbm>>
      tpu.wait_dma2 semaphore(%run_scoped3A_18 : memref<!tpu.dma_semaphore, #tpu.memory_space<semaphore_mem>>) src(%arg7 : memref<10240xf32, #tpu.memory_space<vmem>>) dst(%dma_wait3A_28 : memref<10240xf32, #tpu.memory_space<hbm>>)
      tpu.yield
    }) : () -> ()
    %run_scoped3A_17 = arith.constant 1 : i32
    "tpu.region"() ({
      %run_scoped3A_18 = tpu.sem_alloc : memref<!tpu.dma_semaphore, #tpu.memory_space<semaphore_mem>>
      %dma_start3A = arith.constant 0 : i32
      %dma_start3A_19 = tpu.memref_slice %arg4[%run_scoped3A_17, %add3A, %dma_start3A] : memref<2x32x10240xf32, #tpu.memory_space<hbm>> -> memref<1x1x10240xf32, #tpu.memory_space<hbm>>
      %dma_start3A_20 = tpu.memref_squeeze %dma_start3A_19 : memref<1x1x10240xf32, #tpu.memory_space<hbm>> -> memref<10240xf32, #tpu.memory_space<hbm>>
      %dma_start3A_21 = arith.constant 0 : i32
      %dma_start3A_22 = tpu.memref_slice %arg4[%run_scoped3A_17, %add3A, %dma_start3A_21] : memref<2x32x10240xf32, #tpu.memory_space<hbm>> -> memref<1x1x10240xf32, #tpu.memory_space<hbm>>
      %dma_start3A_23 = tpu.memref_squeeze %dma_start3A_22 : memref<1x1x10240xf32, #tpu.memory_space<hbm>> -> memref<10240xf32, #tpu.memory_space<hbm>>
      tpu.enqueue_dma source(%arg8 : memref<10240xf32, #tpu.memory_space<vmem>>) target(%dma_start3A_23 : memref<10240xf32, #tpu.memory_space<hbm>>) target_semaphore(%run_scoped3A_18 : memref<!tpu.dma_semaphore, #tpu.memory_space<semaphore_mem>>)
      %dma_wait3A = arith.constant 0 : i32
      %dma_wait3A_24 = tpu.memref_slice %arg4[%run_scoped3A_17, %add3A, %dma_wait3A] : memref<2x32x10240xf32, #tpu.memory_space<hbm>> -> memref<1x1x10240xf32, #tpu.memory_space<hbm>>
      %dma_wait3A_25 = tpu.memref_squeeze %dma_wait3A_24 : memref<1x1x10240xf32, #tpu.memory_space<hbm>> -> memref<10240xf32, #tpu.memory_space<hbm>>
      %dma_wait3A_26 = arith.constant 0 : i32
      %dma_wait3A_27 = tpu.memref_slice %arg4[%run_scoped3A_17, %add3A, %dma_wait3A_26] : memref<2x32x10240xf32, #tpu.memory_space<hbm>> -> memref<1x1x10240xf32, #tpu.memory_space<hbm>>
      %dma_wait3A_28 = tpu.memref_squeeze %dma_wait3A_27 : memref<1x1x10240xf32, #tpu.memory_space<hbm>> -> memref<10240xf32, #tpu.memory_space<hbm>>
      tpu.wait_dma2 semaphore(%run_scoped3A_18 : memref<!tpu.dma_semaphore, #tpu.memory_space<semaphore_mem>>) src(%arg8 : memref<10240xf32, #tpu.memory_space<vmem>>) dst(%dma_wait3A_28 : memref<10240xf32, #tpu.memory_space<hbm>>)
      tpu.yield
    }) : () -> ()
    return
  }
}

</mosaic_0001>

<sc_bundles>
// kernel: _degrees.3.cloned.1.call-start
scs
__scs_entry_jumppad:
0x0: {  	(pc) =	sbr.rel $0x88, $3  }
0x1: {  	(tag) =	ssettag $0x0;
	lr =	simm.s32 $0x1  }
0x2: {  	[smem:$0x3F9F] =	sst lr;
	_ =	strace $0xD0000000  }
0x3: {  	_ = 	snop  }
0x4: {  	_ = 	snop  }
0x5: {  	_ = 	snop  }
0x6: {  	_ = 	snop  }
0x7: {  	_ = 	snop  }
__scs_overlays_trampoline_lowered:
0x8: {  	[smem:$0x3FAE] =	sst s0  }
0x9: {  	[smem:$0x3FAF] =	sst s1  }
0xa: {  	[smem:$0x3FB0] =	sst s2  }
0xb: {  	[smem:$0x3FB1] =	sst s3  }
0xc: {  	[smem:$0x3FB2] =	sst s4  }
0xd: {  	[smem:$0x3FB3] =	sst s5  }
0xe: {  	[smem:$0x3FB4] =	sst s6  }
0xf: {  	[smem:$0x3FB5] =	sst s7  }
0x10: {  	[smem:$0x3FB6] =	sst s8  }
0x11: {  	[smem:$0x3FB7] =	sst s9;
	s0 =	simm.s32 @!p0 $0x0  }
0x12: {  	s1 =	sld [smem:$0x3F9D];
	s0 =	simm.s32 @p0 $0x1  }
0x13: {  	[smem:$0x3FB8] =	sst s0;
	s0 =	simm.s32 @!p1 $0x0  }
0x14: {  	s2 =	sld [smem:$0x3F9C];
	s0 =	simm.s32 @p1 $0x1  }
0x15: {  	[smem:$0x3FB9] =	sst s0;
	s0 =	simm.s32 @!p2 $0x0  }
0x16: {  	s3 =	sld [smem:$0x3FDB];
	s0 =	simm.s32 @p2 $0x1  }
0x17: {  	s4 =	simm.s32 $0x1BF5;
	[smem:$0x3FBB] =	sst s0  }
0x18: {  	s0 =	sld [smem:$0x3F9E];
	_ =	swait.ge [sflag:s4], $0x0  }
0x19: {  	s7 =	sld [smem:$0x3F9F]  }
0x1a: {  	s8 =	sadd.s32 $0xFFFFE003, lr  }
0x1b: {  	s9 =	sadd.s32 $0xFFFFFEF7, lr;
	s5 =	simm.s32 $0xFFFFFFFF;
	p2 =	slt.u32 s8, $0xFFFFF086  }
0x1c: {  	p1 =	slt.u32 s9, $0xF7A;
	s5 =	simm.s32 @!p2 $0x0  }
0x1d: {  	s5 =	simm.s32 @p1 $0x1;
	p0 =	seq.s32 s7, s2  }
0x1e: {  	s7 =	smul.u32 @!p0 $0xF7A, s2;
	p2 =	seq.s32 @!p0 s5, $0x0  }
0x1f: {  	s9 =	smul.u32 $0xF7A, s1;
	s8 =	simm.s32 @!p0 $0x1BF5;
	p2 =	por !p2, p0  }
0x20: {  	[sflag:s8] =	ssyncset.s32 @!p0 $0xFFFFF086;
	s6 =	sadd.s32 @!p0 s3, s7;
	s7 =	simm.s32 @!p0 $0x108  }
0x21: {  	s3 =	sadd.s32 s3, s9;
	s6 =	sadd.s32 @!p0 $0x88, s6;
	s7 =	simm.s32 @p2 $0x1082  }
0x22: {  	[simem:s7], [sflag:s8] =	dma.local @!p0 [hbm:s6], $0xF7A  }
0x23: {  	s9 =	sor.u32 $0xD0000000, s2;
	s6 =	simm.s32 $0x108;
	_ =	swait.ge @!p0 [sflag:s8], $0x0  }
0x24: {  	s3 =	sadd.s32 $0x88, s3;
	s6 =	simm.s32 @!p1 $0x1082;
	[sflag:s4] =	ssyncset.s32 $0xFFFFF086  }
0x25: {  	[simem:s6], [sflag:s4] =	dma.local [hbm:s3], $0xF7A  }
0x26: {  	[smem:$0x3F9F] =	sst s1;
	(tag) =	ssettag s2;
	_ =	strace s9  }
0x27: {  	s1 =	sld [smem:$0x3FAF]  }
0x28: {  	s2 =	sld [smem:$0x3FB0]  }
0x29: {  	s4 =	sld [smem:$0x3FB2]  }
0x2a: {  	p0 =	seq.s32 s5, $0x0;
	s5 =	sld [smem:$0x3FB3]  }
0x2b: {  	s6 =	sld [smem:$0x3FB4]  }
0x2c: {  	s7 =	sld [smem:$0x3FB5]  }
0x2d: {  	s3 =	simm.s32 $0x108;
	s8 =	sld [smem:$0x3FB6]  }
0x2e: {  	s3 =	simm.s32 @!p0 $0x1082;
	s9 =	sld [smem:$0x3FB7]  }
0x2f: {  	lr =	sadd.s32 s0, s3;
	s0 =	sld [smem:$0x3FAE]  }
0x30: {  	s3 =	sld [smem:$0x3FB1]  }
0x31: {  	[smem:$0x3FBA] =	sst s10  }
0x32: {  	s10 =	sld [smem:$0x3FB8];
	_ =	sdelay $0x3  }
0x33: {  	p0 =	seq.s32 s10, $0x1;
	s10 =	sld [smem:$0x3FBA];
	_ =	sdelay $0x3  }
0x34: {  	[smem:$0x3FBA] =	sst s10  }
0x35: {  	s10 =	sld [smem:$0x3FB9];
	_ =	sdelay $0x3  }
0x36: {  	p1 =	seq.s32 s10, $0x1;
	s10 =	sld [smem:$0x3FBA];
	_ =	sdelay $0x3  }
0x37: {  	[smem:$0x3FBA] =	sst s10  }
0x38: {  	s10 =	sld [smem:$0x3FBB]  }
0x39: {  	_ = 	snop;
	(pc) =	sbr.ind lr, $3  }
0x3a: {  	_ = 	snop  }
0x3b: {  	_ = 	snop  }
0x3c: {  	p2 =	seq.s32 s10, $0x1;
	s10 =	sld [smem:$0x3FBA]  }
0x3d: {  	_ =	shalt  }
0x3e: {  	_ =	shalt  }
0x3f: {  	_ =	shalt  }
0x40: {  	_ =	shalt  }
0x41: {  	_ =	shalt  }
0x42: {  	_ =	shalt  }
0x43: {  	_ =	shalt  }
0x44: {  	_ =	shalt  }
0x45: {  	_ =	shalt  }
0x46: {  	_ =	shalt  }
0x47: {  	_ =	shalt  }
0x48: {  	_ =	shalt  }
0x49: {  	_ =	shalt  }
0x4a: {  	_ =	shalt  }
0x4b: {  	_ =	shalt  }
0x4c: {  	_ =	shalt  }
0x4d: {  	_ =	shalt  }
0x4e: {  	_ =	shalt  }
0x4f: {  	_ =	shalt  }
0x50: {  	_ =	shalt  }
0x51: {  	_ =	shalt  }
0x52: {  	_ =	shalt  }
0x53: {  	_ =	shalt  }
0x54: {  	_ =	shalt  }
0x55: {  	_ =	shalt  }
0x56: {  	_ =	shalt  }
0x57: {  	_ =	shalt  }
0x58: {  	_ =	shalt  }
0x59: {  	_ =	shalt  }
0x5a: {  	_ =	shalt  }
0x5b: {  	_ =	shalt  }
0x5c: {  	_ =	shalt  }
0x5d: {  	_ =	shalt  }
0x5e: {  	_ =	shalt  }
0x5f: {  	_ =	shalt  }
0x60: {  	_ =	shalt  }
0x61: {  	_ =	shalt  }
0x62: {  	_ =	shalt  }
0x63: {  	_ =	shalt  }
0x64: {  	_ =	shalt  }
0x65: {  	_ =	shalt  }
0x66: {  	_ =	shalt  }
0x67: {  	_ =	shalt  }
0x68: {  	_ =	shalt  }
0x69: {  	_ =	shalt  }
0x6a: {  	_ =	shalt  }
0x6b: {  	_ =	shalt  }
0x6c: {  	_ =	shalt  }
0x6d: {  	_ =	shalt  }
0x6e: {  	_ =	shalt  }
0x6f: {  	_ =	shalt  }
0x70: {  	_ =	shalt  }
0x71: {  	_ =	shalt  }
0x72: {  	_ =	shalt  }
0x73: {  	_ =	shalt  }
0x74: {  	_ =	shalt  }
0x75: {  	_ =	shalt  }
0x76: {  	_ =	shalt  }
0x77: {  	_ =	shalt  }
0x78: {  	_ =	shalt  }
0x79: {  	_ =	shalt  }
0x7a: {  	_ =	shalt  }
0x7b: {  	_ =	shalt  }
0x7c: {  	_ =	shalt  }
0x7d: {  	_ =	shalt  }
0x7e: {  	_ =	shalt  }
0x7f: {  	_ =	shalt  }
0x80: {  	_ =	shalt  }
0x81: {  	_ =	shalt  }
0x82: {  	_ =	shalt  }
0x83: {  	_ =	shalt  }
0x84: {  	_ =	shalt  }
0x85: {  	_ =	shalt  }
0x86: {  	_ =	shalt  }
0x87: {  	_ =	shalt  }
.Lfunc_end0:
.L_simem_size_0:
called_computation_lowered:
.L_overlay_start_0:
0x88: {  	s2 =	sld [smem:$0x3FD9]  }
0x89: {  	s3 =	sld [smem:$0x3FFE];
	_ =	sdelay $0x1  }
0x8a: {  	s1 =	srdreg.scid  }
0x8b: {  	s0 =	sand.u32 $0x1, s1  }
0x8c: {  	s18 =	sshll.u32 s0, $0xA;
	s2 =	sadd.s32 s3, s2  }
0x8d: {  	s2 =	sadd.s32 s2, s18  }
0x8e: {  	[smem:$0x3FC6] =	sst s2  }
0x8f: {  	_ = 	snop  }
0x90: {  	s2 =	sld [smem:$0x3FC9]  }
0x91: {  	s19 =	sld [smem:$0x3FC8]  }
0x92: {  	s4 =	sld [smem:$0x3FD0];
	(tm) =	ssettm $0x1  }
0x93: {  	s5 =	sld [smem:$0x3FFB];
	_ =	sdelay $0x3  }
0x94: {  	_ =	strace s5  }
0x95: {  	s5 =	sld [smem:$0x3FFC];
	_ =	sdelay $0x3  }
0x96: {  	_ =	strace s5  }
0x97: {  	s5 =	sld [smem:$0x3FFD];
	_ =	sdelay $0x3  }
0x98: {  	_ =	strace s5  }
0x99: {  	_ =	strace $0x8FFFFFFF  }
0x9a: {  	s20 =	sld [smem:$0x3FDB];
	_ =	sdelay $0x1  }
0x9b: {  	s6 =	simm.s32 $_scs_section_size  }
0x9c: {  	s7 =	simm.s32 $_size__tile_overlayer_lowered;
	s8 =	simm.s32 $_tile_overlayer_lowered  }
0x9d: {  	s23 =	simm.s32 $0x1BFF;
	s22 =	sshll.u32 s8, $0x1;
	s5 =	sadd.s32 s6, s20  }
0x9e: {  	s9 =	simm.s32 $0x0;
	s21 =	sshll.u32 s7, $0x1;
	s7 =	sadd.s32 s22, s5  }
0x9f: {  	[timem:s9], [sflag:s23] =	dma.local [hbm:s7], s21  }
0xa0: {  	_ =	swait.ge [sflag:s23], s21  }
0xa1: {  	s6 =	ssub.s32 $0x0, s21;
	[sflag:s23] =	ssyncset.done $0x0  }
0xa2: {  	[sflag:s23] =	ssyncadd.s32 s6;
	_ =	sdelay $0x1  }
0xa3: {  	s24 =	simm.s32 $0x1B8B  }
0xa4: {  	_ =	swait.ge [sflag:s24], $0x1  }
0xa5: {  	[sflag:s24] =	ssyncset.done $0x0  }
0xa6: {  	s25 =	simm.s32 $0x1B8E;
	[sflag:s24] =	ssyncadd.s32 $0xFFFFFFFF  }
0xa7: {  	s26 =	simm.s32 $execute0_lowered;
	[smem:$0x3FD2] =	sst s25  }
0xa8: {  	s6 =	sshll.u32 s26, $0x1;
	_ =	strace $0x80000046;
	[dreg:$0x1] =	wrdreg $0xFFFFFFFF  }
0xa9: {  	s28 =	simm.s32 $_size_execute0_lowered;
	s5 =	sadd.s32 s5, s6;
	[dreg:$0x0] =	wrdreg $0x0  }
0xaa: {  	s6 =	sshll.u32 s28, $0x1;
	[dreg:$0x2] =	wrdreg s5  }
0xab: {  	[dreg:$0x3] =	wrdreg s6  }
0xac: {  	[dreg:$0x4] =	wrdreg $0xC0  }
0xad: {  	_ =	task [dreg:s9], $0x5FFFF  }
0xae: {  	[dreg:$0x1] =	wrdreg $0xFFFFFFFF  }
0xaf: {  	[dreg:$0x0] =	wrdreg $0x60  }
0xb0: {  	[dreg:$0x2] =	wrdreg s2  }
0xb1: {  	[dreg:$0x3] =	wrdreg s19  }
0xb2: {  	[dreg:$0x4] =	wrdreg s4  }
0xb3: {  	[dreg:$0x5] =	wrdreg $0x9  }
0xb4: {  	_ =	task.clear_ibuf [dreg:s9], $0x6FFFF;
	_ =	strace $0x90000046  }
0xb5: {  	s29 =	simm.s32 $0x9;
	_ =	strace $0x80000048  }
0xb6: {  	_ =	swait.ge [sflag:s29], $0x1  }
0xb7: {  	[sflag:s29] =	ssyncadd.s32 $0xFFFFFFFF  }
0xb8: {  	_ =	strace $0x90000048  }
0xb9: {  	_ =	sfence  }
0xba: {  	s30 =	sld [smem:$0x0];
	_ =	sdelay $0x2  }
0xbb: {  	s31 =	sshll.u32 s1, $0xD;
	s1 =	sshrl.u32 s1, $0x2  }
0xbc: {  	s3 =	sand.u32 $0x4000, s31;
	s1 =	sadd.s32 s1, s30  }
0xbd: {  	s0 =	sor.u32 s3, s0;
	s1 =	sshll.u32 s1, $0x11  }
0xbe: {  	s0 =	sor.u32 s1, s0  }
0xbf: {  	s0 =	sadd.s32 $0x8F2B, s0  }
0xc0: {  	[sflag:s0] =	ssyncadd.remote.s32 $0x1  }
0xc1: {  	_ =	sfence.sel $0xFFFF  }
0xc2: {  	[dreg:$0x0] =	wrdreg $0xFFFFFFFF;
	(pc) =	sbr.abs _section_cstart, $3  }
0xc3: {  	[dreg:$0x1] =	wrdreg $0xFFFFFFFF  }
0xc4: {  	_ =	task.clear_ibuf [dreg:s9], $0x2FFFF;
	_ =	strace $0x9FFFFFFF  }
0xc5: {  	(tm) =	ssettm $0x7FFFFFFF  }
tec
execute0_lowered:
.L_overlay_start_1:
0x0: {  	(tag) =	ssettag $0x1  }
0x1: {  	s4 =	rddreg [dreg:$0x0]  }
0x2: {  	s0 =	srdreg.scid;
	s5 =	rddreg [dreg:$0x1]  }
0x3: {  	s6 =	rddreg [dreg:$0x2];
	s3 =	sand.u32 $0x1, s0  }
0x4: {  	s2 =	simm.s32 $0x0;
	s0 =	stileid.u32;
	s1 =	sshll.u32 s3, $0x4  }
0x5: {  	s10 =	simm.s32 $0x1;
	s11 =	simm.s32 $0x2800;
	s1 =	sor.u32 s0, s1  }
0x6: {  	s12 =	simm.s32 $0x5000;
	s13 =	simm.s32 $0x7800;
	s1 =	sshrl.u32 s1, $0x3  }
0x7: {  	s14 =	simm.s32 $0x0;
	s8 =	sshll.u32 s0, $0x7;
	s7 =	smul.u32 $0x14000, s1  }
0x8: {  	[smem:$0x7FF] =	sst s2;
	s3 =	ssub.s32 $0x2, s3;
	s8 =	sand.u32 $0x380, s8  }
0x9: {  	s31 =	sshrl.u32 s3, $0x1;
	s1 =	rddreg [dreg:$0x3];
	s7 =	sor.u32 s8, s7  }
0xa: {  	_ =	strace $0x80000047;
	s8 =	ssub.s32 s3, s31;
	s9 =	sshrl.u32 s7, $0x3  }
0xb: {  	s7 =	sadd.s32 $0x50000, s7;
	s3 =	sadd.s32 s4, s9;
	s4 =	sadd.s32 s5, s9  }
0xc: {  	s5 =	sadd.s32 s6, s9;
	s7 =	sshrl.u32 s7, $0x3;
	s9 =	simm.s32 $0x400  }
0xd: {  	v0 =	vimm.f32 $0.0e+00;
	v1 =	vimm.f32 $1.000000000e+00;
	s6 =	sadd.s32 s6, s7;
	s7 =	smax.u32 s8, $0x1;
	s8 =	simm.s32 $0x80  }
.LBB2_1:
0xe: {  	[tilespmem:s2], [sflag:$0x1] =	stream.strided.gather [hbm4b:s3+s8], $0x2800, s9, s8, $0x38;
	[tilespmem:$0xA000] =	vst v63  }
0xf: {  	_ =	swait.ge [sflag:s10], $0x2800  }
0x10: {  	[sflag:s10] =	ssyncset.done $0x0  }
0x11: {  	[sflag:s10] =	ssyncadd.s32 $0xFFFFD800  }
0x12: {  	[tilespmem:s11], [sflag:$0x1] =	stream.strided.gather [hbm4b:s4+s8], $0x2800, s9, s8, $0x38;
	[tilespmem:$0xA000] =	vst v63  }
0x13: {  	_ =	swait.ge [sflag:s10], $0x2800  }
0x14: {  	[sflag:s10] =	ssyncset.done $0x0  }
0x15: {  	s15 =	simm.s32 $0x0;
	[sflag:s10] =	ssyncadd.s32 $0xFFFFD800  }
.LBB2_2:
0x16: {  	p0 =	sne.s32 s15, $0x9FC0  }
.Ltmp0:
0x17: {  	_ = 	snop;
	(pc) =	sbr.rel @p0 .LBB2_2-.Ltmp0, $4  }
0x18: {  	_ = 	snop  }
0x19: {  	s16 =	sshra.s32 s15, $0x2  }
0x1a: {  	[tilespmem:s16+$0x5000] =	vst v0  }
0x1b: {  	s15 =	sadd.s32 $0x40, s15;
	[tilespmem:s16+$0x7800] =	vst v0  }
0x1c: {  	s16 =	simm.s32 $0x0  }
0x1d: {  	s15 =	simm.s32 $0x40;
	v2 =	vld [tilespmem:s16+$0x0]  }
.LBB2_4:
0x1e: {  	p0 =	sne.s32 s15, $0x9FC0;
	v3 =	vld [tilespmem:s16+$0x2800];
	_ =	sdelay $0x4  }
.Ltmp1:
0x1f: {  	(pc) =	sbr.rel @p0 .LBB2_4-.Ltmp1, $4  }
0x20: {  	_ = 	snop  }
0x21: {  	[tilespmem:v2+s12+$0x0] =	vst.idx.add.f32.msk $0xffff, v1  }
0x22: {  	s16 =	sshra.s32 s15, $0x2;
	[tilespmem:v3+s13+$0x0] =	vst.idx.add.f32.msk $0xffff, v1  }
0x23: {  	s15 =	sadd.s32 $0x40, s15;
	v2 =	vld [tilespmem:s16+$0x0]  }
0x24: {  	_ = 	snop  }
0x25: {  	v3 =	vld [tilespmem:s16+$0x2800];
	_ =	sdelay $0x6  }
0x26: {  	[tilespmem:v2+s12+$0x0] =	vst.idx.add.f32.msk $0xffff, v1  }
0x27: {  	[tilespmem:v3+s13+$0x0] =	vst.idx.add.f32.msk $0xffff, v1  }
0x28: {  	[hbm4b:s5+s8] =	stream.strided.scatter [tilespmem:s12], [sflag:$0x1], $0x2800, s9, s8, $0x38;
	[tilespmem:$0xA000] =	vst v63  }
0x29: {  	s14 =	sadd.s32 $0x1, s14;
	_ =	swait.ge [sflag:s10], $0x2800  }
0x2a: {  	p0 =	sne.s32 s14, s7;
	[sflag:s10] =	ssyncset.done $0x0  }
.Ltmp2:
0x2b: {  	[sflag:s10] =	ssyncadd.s32 $0xFFFFD800;
	(pc) =	sbr.rel @p0 .LBB2_1-.Ltmp2, $4  }
0x2c: {  	[hbm4b:s6+s8] =	stream.strided.scatter [tilespmem:s13], [sflag:$0x1], $0x2800, s9, s8, $0x38;
	[tilespmem:$0xA000] =	vst v63  }
0x2d: {  	_ =	swait.ge [sflag:s10], $0x2800  }
0x2e: {  	[sflag:s10] =	ssyncset.done $0x0  }
0x2f: {  	[sflag:s10] =	ssyncadd.s32 $0xFFFFD800  }
0x30: {  	_ =	sfence.sel $0x180000  }
0x31: {  	[bflag:$0x0] =	sbarrier.arrive $0xFFFF  }
0x32: {  	p0 =	sne.s32 s0, $0x0;
	_ =	strace $0x90000047  }
0x33: {  	s0 =	sadd.s32 @!p0 $0x100000, s1;
	[bflag:$0x2] =	sbarrier.arrive $0xFFFF  }
0x34: {  	[sflag:s0] =	ssyncadd.tile.s32 @!p0 $0x1;
	_ =	shalt  }
.Lfunc_end2:
_tile_overlayer_lowered:
.L_overlay_start_2:
0x35: {  	(tag) =	ssettag $0x2  }
0x36: {  	s0 =	rddreg [dreg:$0x0];
	s2 =	stileid.u32  }
0x37: {  	s1 =	rddreg [dreg:$0x1];
	p0 =	sne.s32 s2, $0x0  }
0x38: {  	s3 =	rddreg [dreg:$0x2];
	[bflag:$0x3] =	sbarrier.arrive $0xFFFF;
	s2 =	simm.s32 @!p0 $0x1C01  }
0x39: {  	[timem:s3], [sflag:s2] =	dma.local @!p0 [hbm:s0], s1  }
0x3a: {  	s0 =	simm.s32 @!p0 $0x1  }
0x3b: {  	_ =	swait.ge @!p0 [sflag:s0], s1  }
0x3c: {  	s1 =	ssub.s32 @!p0 $0x0, s1;
	[sflag:s0] =	ssyncset.done @!p0 $0x0  }
0x3d: {  	[sflag:s0] =	ssyncadd.s32 @!p0 s1  }
0x3e: {  	[bflag:$0x3] =	sbarrier.arrive $0xFFFF  }
0x3f: {  	_ =	shalt  }

</sc_bundles>
